<compile_context>
chip_gen: v7x
topology: tpu7x:2x2x1
jax: 0.10.2.dev20260603
libtpu: 0.0.44.dev20260713+nightly
codegen_flags: <defaults>
</compile_context>

<pallas_src>
import jax
import jax.numpy as jnp
from jax import lax
from jax.experimental import pallas as pl
from jax.experimental.pallas import tpu as pltpu
from jax.experimental.pallas import tpu_sc as plsc

N = 10000
E = 320000
D = 128
H = 128
O = 128

NC = 2
NS = 16
NW = NC * NS
EPW = E // NW
LANES = 16

NB = 2000
NCHUNK = N // NB


UNROLL = 5


def _hist_body(idx_hbm, out_hbm, idx_v, local_v):
    cid = lax.axis_index("c")
    sid = lax.axis_index("s")
    wid = sid * NC + cid

    pltpu.sync_copy(idx_hbm.at[pl.ds(wid * EPW, EPW)], idx_v)

    zero16 = jnp.zeros((LANES,), jnp.float32)

    @plsc.parallel_loop(0, N // LANES, unroll=UNROLL)
    def _zero(i):
        local_v[0, pl.ds(i * LANES, LANES)] = zero16

    ones16 = jnp.ones((LANES,), jnp.float32)
    zi16 = jnp.zeros((LANES,), jnp.int32)

    @plsc.parallel_loop(0, EPW // LANES, unroll=UNROLL)
    def _hist(i):
        idx16 = idx_v[pl.ds(i * LANES, LANES)]
        plsc.addupdate_scatter(local_v, [zi16, idx16], ones16)

    pltpu.sync_copy(local_v, out_hbm.at[wid])


def _histogram(neighbor_dict):
    mesh = plsc.VectorSubcoreMesh(core_axis_name="c", subcore_axis_name="s")
    counts = pl.kernel(
        _hist_body,
        mesh=mesh,
        out_type=jax.ShapeDtypeStruct((NW, 1, N), jnp.float32),
        scratch_types=[
            pltpu.VMEM((EPW,), jnp.int32),
            pltpu.VMEM((1, N), jnp.float32),
        ],
        compiler_params=pltpu.CompilerParams(needs_layout_passes=False),
    )(neighbor_dict)
    return counts


def _z_body(feat_ref, w1_ref, b1_ref, w2_ref, b2_ref, z_ref):
    x = feat_ref[...]
    h = lax.dot_general(x, w1_ref[...], (((1,), (1,)), ((), ())),
                        preferred_element_type=jnp.float32,
                        precision=lax.Precision.DEFAULT) + b1_ref[...]
    h2 = lax.dot_general(h, w2_ref[...], (((1,), (1,)), ((), ())),
                         preferred_element_type=jnp.float32,
                         precision=lax.Precision.DEFAULT) + b2_ref[...]
    z_ref[...] = jnp.maximum(h2, 0.0).astype(jnp.bfloat16)


def _w_body(counts_ref, z_ref, wc_ref, bc_ref, out_ref):
    c = jnp.reshape(counts_ref[...], (NW, N))
    z = z_ref[...].astype(jnp.float32)
    acc = lax.dot_general(c, z, (((1,), (0,)), ((), ())),
                          preferred_element_type=jnp.float32,
                          precision=lax.Precision.DEFAULT)
    pooled = jnp.sum(acc, axis=0, keepdims=True) * (1.0 / E)
    fa = jnp.maximum(pooled, 0.0)
    out_ref[...] = lax.dot_general(fa, wc_ref[...], (((1,), (1,)), ((), ())),
                                   preferred_element_type=jnp.float32,
                                   precision=lax.Precision.HIGHEST) + bc_ref[...]


def kernel(feat, neighbor_dict, all_feat, W1, b1, W2, b2, Wc, bc):
    counts = _histogram(neighbor_dict)
    z = pl.pallas_call(
        _z_body,
        grid=(NCHUNK,),
        in_specs=[
            pl.BlockSpec((NB, D), lambda i: (i, 0)),
            pl.BlockSpec((H, D), lambda i: (0, 0)),
            pl.BlockSpec((1, H), lambda i: (0, 0)),
            pl.BlockSpec((H, H), lambda i: (0, 0)),
            pl.BlockSpec((1, H), lambda i: (0, 0)),
        ],
        out_specs=pl.BlockSpec((NB, H), lambda i: (i, 0)),
        out_shape=jax.ShapeDtypeStruct((N, H), jnp.bfloat16),
    )(all_feat, W1, b1.reshape(1, H), W2, b2.reshape(1, H))
    out = pl.pallas_call(
        _w_body,
        out_shape=jax.ShapeDtypeStruct((1, O), jnp.float32),
    )(counts, z, Wc, bc.reshape(1, O))
    return out.reshape(O)

# --- scband reference (transcript-rebuilt; emitter-appended) ---
"""Pipeline reference for scband-single-model-86577950753154 (READ-ONLY COPY).

The authoritative reference and input builder live on the scoring server;
editing this copy changes nothing except your own understanding.
"""

import jax, jax.numpy as jnp
import numpy as np

N, E, D, H, O = 10000, 320000, 128, 128, 128


def setup_inputs(seed: int = 0) -> dict:
    key = jax.random.key(seed)
    ks = jax.random.split(key, 10)
    feat = jax.random.normal(ks[0], (N, D), dtype=jnp.float32)
    all_feat = jax.random.normal(ks[1], (N, D), dtype=jnp.float32)
    neighbor_dict = jax.random.randint(ks[2], (E,), 0, N, dtype=jnp.int32)
    # learned params (nn.Linear weights: [out, in] convention, y = x @ W.T + b)
    W1 = jax.random.normal(ks[3], (H, D), dtype=jnp.float32) * 0.05
    b1 = jnp.zeros((H,), dtype=jnp.float32)
    W2 = jax.random.normal(ks[4], (H, D), dtype=jnp.float32) * 0.05
    b2 = jnp.zeros((H,), dtype=jnp.float32)
    Wc = jax.random.normal(ks[5], (O, H), dtype=jnp.float32) * 0.05
    bc = jnp.zeros((O,), dtype=jnp.float32)
    return {"feat": feat, "neighbor_dict": neighbor_dict, "all_feat": all_feat,
            "W1": W1, "b1": b1, "W2": W2, "b2": b2, "Wc": Wc, "bc": bc}


def reference(feat, neighbor_dict, all_feat, W1, b1, W2, b2, Wc, bc):
    # single node type 'a': feat_input = all_feat['a'][neighbor_dict['a']]
    gathered = jnp.take(all_feat, neighbor_dict, axis=0)        # [E, D] gather
    feat_agg = gathered @ W1.T + b1                              # trans1 = 'linear'
    feat_out_1 = feat_agg @ W2.T + b2                            # trans2 = 'linear'
    feat_agg_0 = jax.nn.relu(feat_out_1)                         # activate = 'relu'
    pooled = jnp.mean(feat_agg_0, axis=0)                        # agg_node = 'mean'
    feat_all = jax.nn.relu(pooled)
    logits = feat_all @ Wc.T + bc                                # classifier
    return logits

if __name__ == "__main__":
    import jax
    _d = setup_inputs()
    print(jax.jit(kernel)(*tuple(_d.values())))

</pallas_src>

<mosaic_0001>
#map = affine_map<(d0, d1) -> (0)>
#map1 = affine_map<(d0, d1) -> (0, 0, 0)>
module attributes {stable_mosaic.version = 14 : i64} {
  func.func @_hist_body(%arg0: i32, %arg1: i32, %arg2: memref<320000xi32, #tpu.memory_space<hbm>>, %arg3: memref<32x1x10000xf32, #tpu.memory_space<hbm>>, %arg4: memref<10000xi32, #tpu.memory_space<vmem>>, %arg5: memref<1x10000xf32, #tpu.memory_space<vmem>>) attributes {dimension_semantics = [#tpu.dimension_semantics<core_parallel>, #tpu.dimension_semantics<subcore_parallel>], iteration_bounds = array<i64: 2, 16>, scalar_prefetch = 0 : i64, scratch_operands = 2 : i64, tpu.core_type = #tpu.core_type<sc_vector_subcore>, window_params = [{transform_indices = #map}, {transform_indices = #map1}]} {
    %mul3A = arith.constant 2 : i32
    %mul3A_0 = arith.muli %arg1, %mul3A : i32
    %add3A = arith.addi %mul3A_0, %arg0 : i32
    %mul3A_1 = arith.constant 10000 : i32
    %mul3A_2 = arith.muli %add3A, %mul3A_1 : i32
    "tpu.region"() ({
      %run_scoped3A = tpu.sem_alloc : memref<!tpu.dma_semaphore, #tpu.memory_space<semaphore_mem>>
      %dma_start3A = tpu.memref_slice %arg2[%mul3A_2] : memref<320000xi32, #tpu.memory_space<hbm>> -> memref<10000xi32, #tpu.memory_space<hbm>>
      %dma_start3A_13 = tpu.memref_slice %arg2[%mul3A_2] : memref<320000xi32, #tpu.memory_space<hbm>> -> memref<10000xi32, #tpu.memory_space<hbm>>
      tpu.enqueue_dma source(%dma_start3A_13 : memref<10000xi32, #tpu.memory_space<hbm>>) target(%arg4 : memref<10000xi32, #tpu.memory_space<vmem>>) target_semaphore(%run_scoped3A : memref<!tpu.dma_semaphore, #tpu.memory_space<semaphore_mem>>)
      %dma_wait3A = tpu.memref_slice %arg2[%mul3A_2] : memref<320000xi32, #tpu.memory_space<hbm>> -> memref<10000xi32, #tpu.memory_space<hbm>>
      %dma_wait3A_14 = tpu.memref_slice %arg2[%mul3A_2] : memref<320000xi32, #tpu.memory_space<hbm>> -> memref<10000xi32, #tpu.memory_space<hbm>>
      tpu.wait_dma2 semaphore(%run_scoped3A : memref<!tpu.dma_semaphore, #tpu.memory_space<semaphore_mem>>) src(%dma_wait3A_14 : memref<10000xi32, #tpu.memory_space<hbm>>) dst(%arg4 : memref<10000xi32, #tpu.memory_space<vmem>>)
      tpu.yield
    }) : () -> ()
    %broadcast_in_dim3A = arith.constant 0.000000e+00 : f32
    %broadcast_in_dim3A_3 = vector.broadcast %broadcast_in_dim3A : f32 to vector<16xf32>
    %parallel_loop3A = arith.constant 0 : i32
    %parallel_loop3A_4 = arith.constant 625 : i32
    %parallel_loop3A_5 = arith.constant 1 : i32
    scf.for %parallel_loop3A_13 = %parallel_loop3A to %parallel_loop3A_4 step %parallel_loop3A_5  : i32 {
      %parallel_loop3A_14 = arith.constant 16 : i32
      %parallel_loop3A_15 = arith.muli %parallel_loop3A_13, %parallel_loop3A_14 : i32
      %parallel_loop3A_16 = arith.constant 0 : i32
      %parallel_loop3A_17 = arith.index_cast %parallel_loop3A_16 : i32 to index
      %parallel_loop3A_18 = arith.index_cast %parallel_loop3A_15 : i32 to index
      %parallel_loop3A_19 = tpu.vector_load %arg5[%parallel_loop3A_17, %parallel_loop3A_18] {strides = array<i32>} : memref<1x10000xf32, #tpu.memory_space<vmem>>, vector<16xf32>,
      tpu.vector_store %arg5[%parallel_loop3A_17, %parallel_loop3A_18], %broadcast_in_dim3A_3 {strides = array<i32>} : memref<1x10000xf32, #tpu.memory_space<vmem>>, vector<16xf32>,
    } {sc.loop_unroll_factor = 5 : i64, sc.parallel_access}
    %broadcast_in_dim3A_6 = arith.constant 1.000000e+00 : f32
    %broadcast_in_dim3A_7 = vector.broadcast %broadcast_in_dim3A_6 : f32 to vector<16xf32>
    %broadcast_in_dim3A_8 = arith.constant 0 : i32
    %broadcast_in_dim3A_9 = vector.broadcast %broadcast_in_dim3A_8 : i32 to vector<16xi32>
    %parallel_loop3A_10 = arith.constant 0 : i32
    %parallel_loop3A_11 = arith.constant 625 : i32
    %parallel_loop3A_12 = arith.constant 1 : i32
    scf.for %parallel_loop3A_13 = %parallel_loop3A_10 to %parallel_loop3A_11 step %parallel_loop3A_12  : i32 {
      %parallel_loop3A_14 = arith.constant 16 : i32
      %parallel_loop3A_15 = arith.muli %parallel_loop3A_13, %parallel_loop3A_14 : i32
      %parallel_loop3A_16 = arith.index_cast %parallel_loop3A_15 : i32 to index
      %parallel_loop3A_17 = tpu.vector_load %arg4[%parallel_loop3A_16] {strides = array<i32>} : memref<10000xi32, #tpu.memory_space<vmem>>, vector<16xi32>,
      tpu.vector_store_idx %arg5[%broadcast_in_dim3A_9, %parallel_loop3A_17], %broadcast_in_dim3A_7 {add = true} : memref<1x10000xf32, #tpu.memory_space<vmem>>[vector<16xi32>, vector<16xi32>], vector<16xf32>,
    } {sc.loop_unroll_factor = 5 : i64, sc.parallel_access}
    "tpu.region"() ({
      %run_scoped3A = tpu.sem_alloc : memref<!tpu.dma_semaphore, #tpu.memory_space<semaphore_mem>>
      %dma_start3A = arith.constant 0 : i32
      %dma_start3A_13 = arith.constant 0 : i32
      %dma_start3A_14 = tpu.memref_slice %arg3[%add3A, %dma_start3A, %dma_start3A_13] : memref<32x1x10000xf32, #tpu.memory_space<hbm>> -> memref<1x1x10000xf32, #tpu.memory_space<hbm>>
      %dma_start3A_15 = tpu.memref_squeeze %dma_start3A_14 : memref<1x1x10000xf32, #tpu.memory_space<hbm>> -> memref<1x10000xf32, #tpu.memory_space<hbm>>
      %dma_start3A_16 = arith.constant 0 : i32
      %dma_start3A_17 = arith.constant 0 : i32
      %dma_start3A_18 = tpu.memref_slice %arg3[%add3A, %dma_start3A_16, %dma_start3A_17] : memref<32x1x10000xf32, #tpu.memory_space<hbm>> -> memref<1x1x10000xf32, #tpu.memory_space<hbm>>
      %dma_start3A_19 = tpu.memref_squeeze %dma_start3A_18 : memref<1x1x10000xf32, #tpu.memory_space<hbm>> -> memref<1x10000xf32, #tpu.memory_space<hbm>>
      tpu.enqueue_dma source(%arg5 : memref<1x10000xf32, #tpu.memory_space<vmem>>) target(%dma_start3A_19 : memref<1x10000xf32, #tpu.memory_space<hbm>>) target_semaphore(%run_scoped3A : memref<!tpu.dma_semaphore, #tpu.memory_space<semaphore_mem>>)
      %dma_wait3A = arith.constant 0 : i32
      %dma_wait3A_20 = arith.constant 0 : i32
      %dma_wait3A_21 = tpu.memref_slice %arg3[%add3A, %dma_wait3A, %dma_wait3A_20] : memref<32x1x10000xf32, #tpu.memory_space<hbm>> -> memref<1x1x10000xf32, #tpu.memory_space<hbm>>
      %dma_wait3A_22 = tpu.memref_squeeze %dma_wait3A_21 : memref<1x1x10000xf32, #tpu.memory_space<hbm>> -> memref<1x10000xf32, #tpu.memory_space<hbm>>
      %dma_wait3A_23 = arith.constant 0 : i32
      %dma_wait3A_24 = arith.constant 0 : i32
      %dma_wait3A_25 = tpu.memref_slice %arg3[%add3A, %dma_wait3A_23, %dma_wait3A_24] : memref<32x1x10000xf32, #tpu.memory_space<hbm>> -> memref<1x1x10000xf32, #tpu.memory_space<hbm>>
      %dma_wait3A_26 = tpu.memref_squeeze %dma_wait3A_25 : memref<1x1x10000xf32, #tpu.memory_space<hbm>> -> memref<1x10000xf32, #tpu.memory_space<hbm>>
      tpu.wait_dma2 semaphore(%run_scoped3A : memref<!tpu.dma_semaphore, #tpu.memory_space<semaphore_mem>>) src(%arg5 : memref<1x10000xf32, #tpu.memory_space<vmem>>) dst(%dma_wait3A_26 : memref<1x10000xf32, #tpu.memory_space<hbm>>)
      tpu.yield
    }) : () -> ()
    return
  }
}

module attributes {stable_mosaic.version = 14 : i64} {
  func.func @_z_body(%arg0: i32, %arg1: memref<2000x128xf32, #tpu.memory_space<vmem>>, %arg2: memref<128x128xf32, #tpu.memory_space<vmem>>, %arg3: memref<1x128xf32, #tpu.memory_space<vmem>>, %arg4: memref<128x128xf32, #tpu.memory_space<vmem>>, %arg5: memref<1x128xf32, #tpu.memory_space<vmem>>, %arg6: memref<2000x128xbf16, #tpu.memory_space<vmem>>) attributes {dimension_semantics = [#tpu.dimension_semantics<arbitrary>], iteration_bounds = array<i64: 5>, scalar_prefetch = 0 : i64, scratch_operands = 0 : i64, tpu.core_type = #tpu.core_type<tc>, window_params = [{transform_indices = @transform_0, window_bounds = array<i64: 2000, 128>}, {pipeline_mode = #tpu.pipeline_mode<synchronous>, transform_indices = @transform_1, window_bounds = array<i64: 128, 128>}, {pipeline_mode = #tpu.pipeline_mode<synchronous>, transform_indices = @transform_2, window_bounds = array<i64: 1, 128>}, {pipeline_mode = #tpu.pipeline_mode<synchronous>, transform_indices = @transform_3, window_bounds = array<i64: 128, 128>}, {pipeline_mode = #tpu.pipeline_mode<synchronous>, transform_indices = @transform_4, window_bounds = array<i64: 1, 128>}, {transform_indices = @transform_5, window_bounds = array<i64: 2000, 128>}]} {
    %get3A = arith.constant 0 : index
    %get3A_0 = arith.constant 0 : index
    %get3A_1 = vector.load %arg1[%get3A, %get3A_0] : memref<2000x128xf32, #tpu.memory_space<vmem>>, vector<2000x128xf32>
    %get3A_2 = arith.constant 0 : index
    %get3A_3 = arith.constant 0 : index
    %get3A_4 = vector.load %arg2[%get3A_2, %get3A_3] : memref<128x128xf32, #tpu.memory_space<vmem>>, vector<128x128xf32>
    %dot_general3A = arith.constant dense<0.000000e+00> : vector<2000x128xf32>
    %dot_general3A_5 = tpu.matmul %get3A_1, %get3A_4, %dot_general3A {dimension_numbers = #tpu.dot_dimension_numbers<[1], [1], [0], [0], [0, 0, 1, 0], [], []>, transpose_lhs_hint = false} : vector<2000x128xf32>, vector<128x128xf32>, vector<2000x128xf32> -> vector<2000x128xf32>
    %get3A_6 = arith.constant 0 : index
    %get3A_7 = arith.constant 0 : index
    %get3A_8 = vector.load %arg3[%get3A_6, %get3A_7] : memref<1x128xf32, #tpu.memory_space<vmem>>, vector<1x128xf32>
    %add3A = vector.broadcast %get3A_8 : vector<1x128xf32> to vector<2000x128xf32>
    %add3A_9 = arith.addf %dot_general3A_5, %add3A : vector<2000x128xf32>
    %get3A_10 = arith.constant 0 : index
    %get3A_11 = arith.constant 0 : index
    %get3A_12 = vector.load %arg4[%get3A_10, %get3A_11] : memref<128x128xf32, #tpu.memory_space<vmem>>, vector<128x128xf32>
    %dot_general3A_13 = arith.constant dense<0.000000e+00> : vector<2000x128xf32>
    %dot_general3A_14 = tpu.matmul %add3A_9, %get3A_12, %dot_general3A_13 {dimension_numbers = #tpu.dot_dimension_numbers<[1], [1], [0], [0], [0, 0, 1, 0], [], []>, transpose_lhs_hint = false} : vector<2000x128xf32>, vector<128x128xf32>, vector<2000x128xf32> -> vector<2000x128xf32>
    %get3A_15 = arith.constant 0 : index
    %get3A_16 = arith.constant 0 : index
    %get3A_17 = vector.load %arg5[%get3A_15, %get3A_16] : memref<1x128xf32, #tpu.memory_space<vmem>>, vector<1x128xf32>
    %add3A_18 = vector.broadcast %get3A_17 : vector<1x128xf32> to vector<2000x128xf32>
    %add3A_19 = arith.addf %dot_general3A_14, %add3A_18 : vector<2000x128xf32>
    %max3A = arith.constant 0.000000e+00 : f32
    %max3A_20 = vector.broadcast %max3A : f32 to vector<2000x128xf32>
    %max3A_21 = arith.maximumf %add3A_19, %max3A_20 : vector<2000x128xf32>
    %convert_element_type3A = arith.truncf %max3A_21 : vector<2000x128xf32> to vector<2000x128xbf16>
    %swap3A = arith.constant 0 : index
    %swap3A_22 = arith.constant 0 : index
    %swap3A_23 = vector.load %arg6[%swap3A, %swap3A_22] : memref<2000x128xbf16, #tpu.memory_space<vmem>>, vector<2000x128xbf16>
    tpu.vector_store %arg6[%swap3A, %swap3A_22], %convert_element_type3A {strides = array<i32>} : memref<2000x128xbf16, #tpu.memory_space<vmem>>, vector<2000x128xbf16>,
    return
  }
  func.func @transform_0(%arg0: i32) -> (i32, i32) {
    %c0_i32 = arith.constant 0 : i32
    %c0_i32_0 = arith.constant 0 : i32
    return %arg0, %c0_i32 : i32, i32
  }
  func.func @transform_1(%arg0: i32) -> (i32, i32) {
    %c0_i32 = arith.constant 0 : i32
    %c0_i32_0 = arith.constant 0 : i32
    %c0_i32_1 = arith.constant 0 : i32
    return %c0_i32, %c0_i32_0 : i32, i32
  }
  func.func @transform_2(%arg0: i32) -> (i32, i32) {
    %c0_i32 = arith.constant 0 : i32
    %c0_i32_0 = arith.constant 0 : i32
    %c0_i32_1 = arith.constant 0 : i32
    return %c0_i32, %c0_i32_0 : i32, i32
  }
  func.func @transform_3(%arg0: i32) -> (i32, i32) {
    %c0_i32 = arith.constant 0 : i32
    %c0_i32_0 = arith.constant 0 : i32
    %c0_i32_1 = arith.constant 0 : i32
    return %c0_i32, %c0_i32_0 : i32, i32
  }
  func.func @transform_4(%arg0: i32) -> (i32, i32) {
    %c0_i32 = arith.constant 0 : i32
    %c0_i32_0 = arith.constant 0 : i32
    %c0_i32_1 = arith.constant 0 : i32
    return %c0_i32, %c0_i32_0 : i32, i32
  }
  func.func @transform_5(%arg0: i32) -> (i32, i32) {
    %c0_i32 = arith.constant 0 : i32
    %c0_i32_0 = arith.constant 0 : i32
    return %arg0, %c0_i32 : i32, i32
  }
}

module attributes {stable_mosaic.version = 14 : i64} {
  func.func @_w_body(%arg0: memref<32x1x10000xf32, #tpu.memory_space<vmem>>, %arg1: memref<10000x128xbf16, #tpu.memory_space<vmem>>, %arg2: memref<128x128xf32, #tpu.memory_space<vmem>>, %arg3: memref<1x128xf32, #tpu.memory_space<vmem>>, %arg4: memref<1x128xf32, #tpu.memory_space<vmem>>) attributes {dimension_semantics = [], scalar_prefetch = 0 : i64, scratch_operands = 0 : i64, tpu.core_type = #tpu.core_type<tc>} {
    %get3A = arith.constant 0 : index
    %get3A_0 = arith.constant 0 : index
    %get3A_1 = arith.constant 0 : index
    %get3A_2 = vector.load %arg0[%get3A, %get3A_0, %get3A_1] : memref<32x1x10000xf32, #tpu.memory_space<vmem>>, vector<32x1x10000xf32>
    %reshape3A = vector.shape_cast %get3A_2 : vector<32x1x10000xf32> to vector<32x10000xf32>
    %get3A_3 = arith.constant 0 : index
    %get3A_4 = arith.constant 0 : index
    %get3A_5 = vector.load %arg1[%get3A_3, %get3A_4] : memref<10000x128xbf16, #tpu.memory_space<vmem>>, vector<10000x128xbf16>
    %convert_element_type3A = arith.extf %get3A_5 : vector<10000x128xbf16> to vector<10000x128xf32>
    %dot_general3A = arith.constant dense<0.000000e+00> : vector<32x128xf32>
    %dot_general3A_6 = tpu.matmul %reshape3A, %convert_element_type3A, %dot_general3A {dimension_numbers = #tpu.dot_dimension_numbers<[1], [0], [0], [1], [0, 0, 1, 1], [], []>, transpose_lhs_hint = false} : vector<32x10000xf32>, vector<10000x128xf32>, vector<32x128xf32> -> vector<32x128xf32>
    %reduce_sum3A = arith.constant dense<0.000000e+00> : vector<128xf32>
    %reduce_sum3A_7 = vector.multi_reduction <add>, %dot_general3A_6, %reduce_sum3A [0] : vector<32x128xf32> to vector<128xf32>
    %broadcast_in_dim3A = vector.shape_cast %reduce_sum3A_7 : vector<128xf32> to vector<1x128xf32>
    %mul3A = arith.constant 3.125000e-06 : f32
    %mul3A_8 = vector.broadcast %mul3A : f32 to vector<1x128xf32>
    %mul3A_9 = arith.mulf %broadcast_in_dim3A, %mul3A_8 : vector<1x128xf32>
    %max3A = arith.constant 0.000000e+00 : f32
    %max3A_10 = vector.broadcast %max3A : f32 to vector<1x128xf32>
    %max3A_11 = arith.maximumf %mul3A_9, %max3A_10 : vector<1x128xf32>
    %get3A_12 = arith.constant 0 : index
    %get3A_13 = arith.constant 0 : index
    %get3A_14 = vector.load %arg2[%get3A_12, %get3A_13] : memref<128x128xf32, #tpu.memory_space<vmem>>, vector<128x128xf32>
    %dot_general3A_15 = arith.constant dense<0.000000e+00> : vector<1x128xf32>
    %dot_general3A_16 = tpu.matmul %max3A_11, %get3A_14, %dot_general3A_15 {dimension_numbers = #tpu.dot_dimension_numbers<[1], [1], [0], [0], [0, 0, 1, 0], [], []>, precision = #tpu.contract_precision<fp32>, transpose_lhs_hint = false} : vector<1x128xf32>, vector<128x128xf32>, vector<1x128xf32> -> vector<1x128xf32>
    %get3A_17 = arith.constant 0 : index
    %get3A_18 = arith.constant 0 : index
    %get3A_19 = vector.load %arg3[%get3A_17, %get3A_18] : memref<1x128xf32, #tpu.memory_space<vmem>>, vector<1x128xf32>
    %add3A = arith.addf %dot_general3A_16, %get3A_19 : vector<1x128xf32>
    %swap3A = arith.constant 0 : index
    %swap3A_20 = arith.constant 0 : index
    %swap3A_21 = vector.load %arg4[%swap3A, %swap3A_20] : memref<1x128xf32, #tpu.memory_space<vmem>>, vector<1x128xf32>
    tpu.vector_store %arg4[%swap3A, %swap3A_20], %add3A {strides = array<i32>} : memref<1x128xf32, #tpu.memory_space<vmem>>, vector<1x128xf32>,
    return
  }
}

</mosaic_0001>

<sc_bundles>
// kernel: kernel.5.cloned.1.call-start
scs
__scs_entry_jumppad:
0x0: {  	(pc) =	sbr.rel $0x88, $3  }
0x1: {  	(tag) =	ssettag $0x0;
	lr =	simm.s32 $0x1  }
0x2: {  	[smem:$0x3F99] =	sst lr;
	_ =	strace $0xD0000000  }
0x3: {  	_ = 	snop  }
0x4: {  	_ = 	snop  }
0x5: {  	_ = 	snop  }
0x6: {  	_ = 	snop  }
0x7: {  	_ = 	snop  }
__scs_overlays_trampoline_lowered:
0x8: {  	[smem:$0x3FA8] =	sst s0  }
0x9: {  	[smem:$0x3FA9] =	sst s1  }
0xa: {  	[smem:$0x3FAA] =	sst s2  }
0xb: {  	[smem:$0x3FAB] =	sst s3  }
0xc: {  	[smem:$0x3FAC] =	sst s4  }
0xd: {  	[smem:$0x3FAD] =	sst s5  }
0xe: {  	[smem:$0x3FAE] =	sst s6  }
0xf: {  	[smem:$0x3FAF] =	sst s7  }
0x10: {  	[smem:$0x3FB0] =	sst s8  }
0x11: {  	[smem:$0x3FB1] =	sst s9;
	s0 =	simm.s32 @!p0 $0x0  }
0x12: {  	s1 =	sld [smem:$0x3F97];
	s0 =	simm.s32 @p0 $0x1  }
0x13: {  	[smem:$0x3FB2] =	sst s0;
	s0 =	simm.s32 @!p1 $0x0  }
0x14: {  	s2 =	sld [smem:$0x3F96];
	s0 =	simm.s32 @p1 $0x1  }
0x15: {  	[smem:$0x3FB3] =	sst s0;
	s0 =	simm.s32 @!p2 $0x0  }
0x16: {  	s3 =	sld [smem:$0x3FDB];
	s0 =	simm.s32 @p2 $0x1  }
0x17: {  	s4 =	simm.s32 $0x1BF5;
	[smem:$0x3FB5] =	sst s0  }
0x18: {  	s0 =	sld [smem:$0x3F98];
	_ =	swait.ge [sflag:s4], $0x0  }
0x19: {  	s7 =	sld [smem:$0x3F99]  }
0x1a: {  	s8 =	sadd.s32 $0xFFFFE003, lr  }
0x1b: {  	s9 =	sadd.s32 $0xFFFFFEF7, lr;
	s5 =	simm.s32 $0xFFFFFFFF;
	p2 =	slt.u32 s8, $0xFFFFF086  }
0x1c: {  	p1 =	slt.u32 s9, $0xF7A;
	s5 =	simm.s32 @!p2 $0x0  }
0x1d: {  	s5 =	simm.s32 @p1 $0x1;
	p0 =	seq.s32 s7, s2  }
0x1e: {  	s7 =	smul.u32 @!p0 $0xF7A, s2;
	p2 =	seq.s32 @!p0 s5, $0x0  }
0x1f: {  	s9 =	smul.u32 $0xF7A, s1;
	s8 =	simm.s32 @!p0 $0x1BF5;
	p2 =	por !p2, p0  }
0x20: {  	[sflag:s8] =	ssyncset.s32 @!p0 $0xFFFFF086;
	s6 =	sadd.s32 @!p0 s3, s7;
	s7 =	simm.s32 @!p0 $0x108  }
0x21: {  	s3 =	sadd.s32 s3, s9;
	s6 =	sadd.s32 @!p0 $0x88, s6;
	s7 =	simm.s32 @p2 $0x1082  }
0x22: {  	[simem:s7], [sflag:s8] =	dma.local @!p0 [hbm:s6], $0xF7A  }
0x23: {  	s9 =	sor.u32 $0xD0000000, s2;
	s6 =	simm.s32 $0x108;
	_ =	swait.ge @!p0 [sflag:s8], $0x0  }
0x24: {  	s3 =	sadd.s32 $0x88, s3;
	s6 =	simm.s32 @!p1 $0x1082;
	[sflag:s4] =	ssyncset.s32 $0xFFFFF086  }
0x25: {  	[simem:s6], [sflag:s4] =	dma.local [hbm:s3], $0xF7A  }
0x26: {  	[smem:$0x3F99] =	sst s1;
	(tag) =	ssettag s2;
	_ =	strace s9  }
0x27: {  	s1 =	sld [smem:$0x3FA9]  }
0x28: {  	s2 =	sld [smem:$0x3FAA]  }
0x29: {  	s4 =	sld [smem:$0x3FAC]  }
0x2a: {  	p0 =	seq.s32 s5, $0x0;
	s5 =	sld [smem:$0x3FAD]  }
0x2b: {  	s6 =	sld [smem:$0x3FAE]  }
0x2c: {  	s7 =	sld [smem:$0x3FAF]  }
0x2d: {  	s3 =	simm.s32 $0x108;
	s8 =	sld [smem:$0x3FB0]  }
0x2e: {  	s3 =	simm.s32 @!p0 $0x1082;
	s9 =	sld [smem:$0x3FB1]  }
0x2f: {  	lr =	sadd.s32 s0, s3;
	s0 =	sld [smem:$0x3FA8]  }
0x30: {  	s3 =	sld [smem:$0x3FAB]  }
0x31: {  	[smem:$0x3FB4] =	sst s10  }
0x32: {  	s10 =	sld [smem:$0x3FB2];
	_ =	sdelay $0x3  }
0x33: {  	p0 =	seq.s32 s10, $0x1;
	s10 =	sld [smem:$0x3FB4];
	_ =	sdelay $0x3  }
0x34: {  	[smem:$0x3FB4] =	sst s10  }
0x35: {  	s10 =	sld [smem:$0x3FB3];
	_ =	sdelay $0x3  }
0x36: {  	p1 =	seq.s32 s10, $0x1;
	s10 =	sld [smem:$0x3FB4];
	_ =	sdelay $0x3  }
0x37: {  	[smem:$0x3FB4] =	sst s10  }
0x38: {  	s10 =	sld [smem:$0x3FB5]  }
0x39: {  	_ = 	snop;
	(pc) =	sbr.ind lr, $3  }
0x3a: {  	_ = 	snop  }
0x3b: {  	_ = 	snop  }
0x3c: {  	p2 =	seq.s32 s10, $0x1;
	s10 =	sld [smem:$0x3FB4]  }
0x3d: {  	_ =	shalt  }
0x3e: {  	_ =	shalt  }
0x3f: {  	_ =	shalt  }
0x40: {  	_ =	shalt  }
0x41: {  	_ =	shalt  }
0x42: {  	_ =	shalt  }
0x43: {  	_ =	shalt  }
0x44: {  	_ =	shalt  }
0x45: {  	_ =	shalt  }
0x46: {  	_ =	shalt  }
0x47: {  	_ =	shalt  }
0x48: {  	_ =	shalt  }
0x49: {  	_ =	shalt  }
0x4a: {  	_ =	shalt  }
0x4b: {  	_ =	shalt  }
0x4c: {  	_ =	shalt  }
0x4d: {  	_ =	shalt  }
0x4e: {  	_ =	shalt  }
0x4f: {  	_ =	shalt  }
0x50: {  	_ =	shalt  }
0x51: {  	_ =	shalt  }
0x52: {  	_ =	shalt  }
0x53: {  	_ =	shalt  }
0x54: {  	_ =	shalt  }
0x55: {  	_ =	shalt  }
0x56: {  	_ =	shalt  }
0x57: {  	_ =	shalt  }
0x58: {  	_ =	shalt  }
0x59: {  	_ =	shalt  }
0x5a: {  	_ =	shalt  }
0x5b: {  	_ =	shalt  }
0x5c: {  	_ =	shalt  }
0x5d: {  	_ =	shalt  }
0x5e: {  	_ =	shalt  }
0x5f: {  	_ =	shalt  }
0x60: {  	_ =	shalt  }
0x61: {  	_ =	shalt  }
0x62: {  	_ =	shalt  }
0x63: {  	_ =	shalt  }
0x64: {  	_ =	shalt  }
0x65: {  	_ =	shalt  }
0x66: {  	_ =	shalt  }
0x67: {  	_ =	shalt  }
0x68: {  	_ =	shalt  }
0x69: {  	_ =	shalt  }
0x6a: {  	_ =	shalt  }
0x6b: {  	_ =	shalt  }
0x6c: {  	_ =	shalt  }
0x6d: {  	_ =	shalt  }
0x6e: {  	_ =	shalt  }
0x6f: {  	_ =	shalt  }
0x70: {  	_ =	shalt  }
0x71: {  	_ =	shalt  }
0x72: {  	_ =	shalt  }
0x73: {  	_ =	shalt  }
0x74: {  	_ =	shalt  }
0x75: {  	_ =	shalt  }
0x76: {  	_ =	shalt  }
0x77: {  	_ =	shalt  }
0x78: {  	_ =	shalt  }
0x79: {  	_ =	shalt  }
0x7a: {  	_ =	shalt  }
0x7b: {  	_ =	shalt  }
0x7c: {  	_ =	shalt  }
0x7d: {  	_ =	shalt  }
0x7e: {  	_ =	shalt  }
0x7f: {  	_ =	shalt  }
0x80: {  	_ =	shalt  }
0x81: {  	_ =	shalt  }
0x82: {  	_ =	shalt  }
0x83: {  	_ =	shalt  }
0x84: {  	_ =	shalt  }
0x85: {  	_ =	shalt  }
0x86: {  	_ =	shalt  }
0x87: {  	_ =	shalt  }
.Lfunc_end0:
.L_simem_size_0:
called_computation_lowered:
.L_overlay_start_0:
0x88: {  	s2 =	sld [smem:$0x3FD9]  }
0x89: {  	s3 =	sld [smem:$0x3FFE];
	_ =	sdelay $0x1  }
0x8a: {  	s1 =	srdreg.scid  }
0x8b: {  	s0 =	sand.u32 $0x1, s1  }
0x8c: {  	s17 =	sshll.u32 s0, $0xA;
	s2 =	sadd.s32 s3, s2  }
0x8d: {  	s2 =	sadd.s32 s2, s17  }
0x8e: {  	[smem:$0x3FC0] =	sst s2  }
0x8f: {  	_ = 	snop  }
0x90: {  	s2 =	sld [smem:$0x3FC9];
	(tm) =	ssettm $0x1  }
0x91: {  	s18 =	sld [smem:$0x3FFB];
	_ =	sdelay $0x3  }
0x92: {  	_ =	strace s18  }
0x93: {  	s3 =	sld [smem:$0x3FFC];
	_ =	sdelay $0x3  }
0x94: {  	_ =	strace s3  }
0x95: {  	s3 =	sld [smem:$0x3FFD];
	_ =	sdelay $0x3  }
0x96: {  	_ =	strace s3  }
0x97: {  	_ =	strace $0x8FFFFFFF  }
0x98: {  	s19 =	sld [smem:$0x3FDB];
	_ =	sdelay $0x1  }
0x99: {  	s4 =	simm.s32 $_scs_section_size  }
0x9a: {  	s5 =	simm.s32 $_size__tile_overlayer_lowered;
	s6 =	simm.s32 $_tile_overlayer_lowered  }
0x9b: {  	s22 =	simm.s32 $0x1BFF;
	s21 =	sshll.u32 s6, $0x1;
	s3 =	sadd.s32 s4, s19  }
0x9c: {  	s7 =	simm.s32 $0x0;
	s20 =	sshll.u32 s5, $0x1;
	s5 =	sadd.s32 s21, s3  }
0x9d: {  	[timem:s7], [sflag:s22] =	dma.local [hbm:s5], s20  }
0x9e: {  	_ =	swait.ge [sflag:s22], s20  }
0x9f: {  	s4 =	ssub.s32 $0x0, s20;
	[sflag:s22] =	ssyncset.done $0x0  }
0xa0: {  	[sflag:s22] =	ssyncadd.s32 s4;
	_ =	sdelay $0x1  }
0xa1: {  	s23 =	simm.s32 $0x1B8B  }
0xa2: {  	_ =	swait.ge [sflag:s23], $0x1  }
0xa3: {  	[sflag:s23] =	ssyncset.done $0x0  }
0xa4: {  	s25 =	simm.s32 $0x1B8E;
	s24 =	sld [smem:$0x3FFE];
	[sflag:s23] =	ssyncadd.s32 $0xFFFFFFFF  }
0xa5: {  	s26 =	simm.s32 $execute0_lowered;
	[smem:$0x3FD2] =	sst s25  }
0xa6: {  	s5 =	sshll.u32 s26, $0x1;
	_ =	strace $0x80000046;
	[dreg:$0x1] =	wrdreg $0xFFFFFFFF  }
0xa7: {  	s28 =	simm.s32 $_size_execute0_lowered;
	s3 =	sadd.s32 s3, s5;
	[dreg:$0x0] =	wrdreg $0x0  }
0xa8: {  	s5 =	sshll.u32 s28, $0x1;
	[dreg:$0x2] =	wrdreg s3  }
0xa9: {  	[dreg:$0x3] =	wrdreg s5  }
0xaa: {  	[dreg:$0x4] =	wrdreg $0xC0  }
0xab: {  	_ =	task [dreg:s7], $0x5FFFF  }
0xac: {  	[dreg:$0x1] =	wrdreg $0xFFFFFFFF  }
0xad: {  	[dreg:$0x0] =	wrdreg $0x60  }
0xae: {  	[dreg:$0x2] =	wrdreg s2  }
0xaf: {  	[dreg:$0x3] =	wrdreg s24  }
0xb0: {  	[dreg:$0x4] =	wrdreg $0x9  }
0xb1: {  	_ =	task.clear_ibuf [dreg:s7], $0x5FFFF;
	_ =	strace $0x90000046  }
0xb2: {  	s29 =	simm.s32 $0x9;
	_ =	strace $0x80000048  }
0xb3: {  	_ =	swait.ge [sflag:s29], $0x1  }
0xb4: {  	[sflag:s29] =	ssyncadd.s32 $0xFFFFFFFF  }
0xb5: {  	_ =	strace $0x90000048  }
0xb6: {  	_ =	sfence  }
0xb7: {  	s30 =	sld [smem:$0x0];
	_ =	sdelay $0x2  }
0xb8: {  	s31 =	sshll.u32 s1, $0xD;
	s1 =	sshrl.u32 s1, $0x2  }
0xb9: {  	s3 =	sand.u32 $0x4000, s31;
	s1 =	sadd.s32 s1, s30  }
0xba: {  	s0 =	sor.u32 s3, s0;
	s1 =	sshll.u32 s1, $0x11  }
0xbb: {  	s0 =	sor.u32 s1, s0  }
0xbc: {  	s0 =	sadd.s32 $0x8F2B, s0  }
0xbd: {  	[sflag:s0] =	ssyncadd.remote.s32 $0x1  }
0xbe: {  	_ =	sfence.sel $0xFFFF  }
0xbf: {  	[dreg:$0x0] =	wrdreg $0xFFFFFFFF;
	(pc) =	sbr.abs _section_cstart, $3  }
0xc0: {  	[dreg:$0x1] =	wrdreg $0xFFFFFFFF  }
0xc1: {  	_ =	task.clear_ibuf [dreg:s7], $0x2FFFF;
	_ =	strace $0x9FFFFFFF  }
0xc2: {  	(tm) =	ssettm $0x7FFFFFFF  }
0xc3: {  	_ =	shalt  }
tec
execute0_lowered:
.L_overlay_start_1:
0x0: {  	(tag) =	ssettag $0x1  }
0x1: {  	s3 =	rddreg [dreg:$0x0]  }
0x2: {  	s1 =	srdreg.scid;
	s0 =	stileid.u32  }
0x3: {  	s4 =	rddreg [dreg:$0x1];
	s5 =	sand.u32 $0x1, s1;
	s2 =	sshll.u32 s0, $0x1  }
0x4: {  	s11 =	simm.s32 $0x20;
	s1 =	rddreg [dreg:$0x2];
	s6 =	sor.u32 s5, s2  }
0x5: {  	s2 =	simm.s32 $0x0;
	s5 =	ssub.s32 $0x2, s5;
	s7 =	smul.u32 $0x4F0, s6  }
0x6: {  	[smem:$0x7FF] =	sst s2;
	s8 =	sshrl.u32 s5, $0x1;
	s6 =	smul.u32 $0x4E2, s6  }
0x7: {  	_ =	strace $0x80000047;
	s5 =	ssub.s32 s5, s8;
	s8 =	simm.s32 $0x0  }
0x8: {  	s4 =	sadd.s32 s7, s4;
	s3 =	sadd.s32 s3, s6;
	s5 =	smax.u32 s5, $0x1  }
0x9: {  	v0 =	vimm.f32 $0.0e+00;
	v1 =	vimm.f32 $1.000000000e+00;
	s6 =	simm.s32 $0x1;
	s7 =	simm.s32 $0x2780;
	s4 =	sadd.s32 $0x1400, s4  }
.LBB2_1:
0xa: {  	[tilespmem:s2], [sflag:$0x1] =	stream.linear.gather [hbm4b:s3+s2], $0x2710, $0x38;
	[tilespmem:$0x4F00] =	vst v63  }
0xb: {  	_ =	swait.ge [sflag:s6], $0x2710  }
0xc: {  	[sflag:s6] =	ssyncset.done $0x0  }
0xd: {  	s9 =	simm.s32 $0x27A0;
	[sflag:s6] =	ssyncadd.s32 $0xFFFFD8F0  }
0xe: {  	[tilespmem:s9+$0xFFFFFFE0] =	vst v0  }
0xf: {  	[tilespmem:s9+$0x20] =	vst v0  }
0x10: {  	[tilespmem:s9+$0x10] =	vst v0  }
0x11: {  	s10 =	simm.s32 $0x0;
	[tilespmem:s9+$0x0] =	vst v0  }
.LBB2_2:
0x12: {  	s10 =	sadd.s32 $0x5, s10  }
0x13: {  	[tilespmem:s9+$0xFFFFFFF0] =	vst v0;
	s9 =	sadd.s32 $0x50, s9;
	p0 =	slt.u32 s10, $0x26C  }
.Ltmp0:
0x14: {  	[tilespmem:s9+$0xFFFFFFE0] =	vst v0;
	(pc) =	sbr.rel @p0 .LBB2_2-.Ltmp0, $4  }
0x15: {  	_ = 	snop  }
0x16: {  	[tilespmem:s9+$0x20] =	vst v0  }
0x17: {  	[tilespmem:s9+$0x10] =	vst v0  }
0x18: {  	[tilespmem:s9+$0x0] =	vst v0  }
0x19: {  	[tilespmem:s9+$0xFFFFFFF0] =	vst v0  }
0x1a: {  	v5 =	vld [tilespmem:s11+$0x20]  }
0x1b: {  	v6 =	vld [tilespmem:s11+$0xFFFFFFF0];
	_ =	sdelay $0x3  }
0x1c: {  	v2 =	vld [tilespmem:s11+$0x0]  }
0x1d: {  	v3 =	vld [tilespmem:s11+$0x10]  }
0x1e: {  	v4 =	vld [tilespmem:s11+$0xFFFFFFE0]  }
0x1f: {  	[tilespmem:v5+s7+$0x0] =	vst.idx.add.f32.msk $0xffff, v1  }
0x20: {  	s9 =	simm.s32 $0x0;
	s10 =	simm.s32 $0x70;
	[tilespmem:v6+s7+$0x0] =	vst.idx.add.f32.msk $0xffff, v1  }
.LBB2_4:
0x21: {  	v5 =	vld [tilespmem:s10+$0x20];
	s9 =	sadd.s32 $0x5, s9  }
0x22: {  	v6 =	vld [tilespmem:s10+$0xFFFFFFF0];
	p0 =	slt.u32 s9, $0x26C  }
0x23: {  	v7 =	vld [tilespmem:s10+$0x0]  }
0x24: {  	v8 =	vld [tilespmem:s10+$0x10]  }
0x25: {  	v9 =	vld [tilespmem:s10+$0xFFFFFFE0]  }
.Ltmp1:
0x26: {  	[tilespmem:v4+s7+$0x0] =	vst.idx.add.f32.msk $0xffff, v1;
	(pc) =	sbr.rel @p0 .LBB2_4-.Ltmp1, $4  }
0x27: {  	[tilespmem:v2+s7+$0x0] =	vst.idx.add.f32.msk $0xffff, v1  }
0x28: {  	[tilespmem:v3+s7+$0x0] =	vst.idx.add.f32.msk $0xffff, v1;
	v2 =	vmov v7  }
0x29: {  	[tilespmem:v5+s7+$0x0] =	vst.idx.add.f32.msk $0xffff, v1;
	v3 =	vmov v8  }
0x2a: {  	s10 =	sadd.s32 $0x50, s10;
	[tilespmem:v6+s7+$0x0] =	vst.idx.add.f32.msk $0xffff, v1;
	v4 =	vmov v9  }
0x2b: {  	_ =	sdelay $0x3  }
0x2c: {  	[tilespmem:v4+s7+$0x0] =	vst.idx.add.f32.msk $0xffff, v1;
	s8 =	sadd.s32 $0x1, s8  }
0x2d: {  	[tilespmem:v2+s7+$0x0] =	vst.idx.add.f32.msk $0xffff, v1;
	p0 =	sne.s32 s8, s5  }
.Ltmp2:
0x2e: {  	[tilespmem:v3+s7+$0x0] =	vst.idx.add.f32.msk $0xffff, v1;
	(pc) =	sbr.rel @p0 .LBB2_1-.Ltmp2, $4  }
0x2f: {  	[hbm4b:s4+s2] =	stream.linear.scatter [tilespmem:s7], [sflag:$0x1], $0x2780, $0x38;
	[tilespmem:$0x4F00] =	vst v63  }
0x30: {  	_ =	swait.ge [sflag:s6], $0x2780  }
0x31: {  	[sflag:s6] =	ssyncset.done $0x0  }
0x32: {  	[sflag:s6] =	ssyncadd.s32 $0xFFFFD880  }
0x33: {  	_ =	sfence.sel $0x180000  }
0x34: {  	[bflag:$0x0] =	sbarrier.arrive $0xFFFF  }
0x35: {  	p0 =	sne.s32 s0, $0x0;
	_ =	strace $0x90000047  }
0x36: {  	s0 =	sadd.s32 @!p0 $0x100000, s1;
	[bflag:$0x2] =	sbarrier.arrive $0xFFFF  }
0x37: {  	[sflag:s0] =	ssyncadd.tile.s32 @!p0 $0x1;
	_ =	shalt  }
.Lfunc_end2:
_tile_overlayer_lowered:
.L_overlay_start_2:
0x38: {  	(tag) =	ssettag $0x2  }
0x39: {  	s0 =	rddreg [dreg:$0x0];
	s2 =	stileid.u32  }
0x3a: {  	s1 =	rddreg [dreg:$0x1];
	p0 =	sne.s32 s2, $0x0  }
0x3b: {  	s3 =	rddreg [dreg:$0x2];
	[bflag:$0x3] =	sbarrier.arrive $0xFFFF;
	s2 =	simm.s32 @!p0 $0x1C01  }
0x3c: {  	[timem:s3], [sflag:s2] =	dma.local @!p0 [hbm:s0], s1  }
0x3d: {  	s0 =	simm.s32 @!p0 $0x1  }
0x3e: {  	_ =	swait.ge @!p0 [sflag:s0], s1  }
0x3f: {  	s1 =	ssub.s32 @!p0 $0x0, s1;
	[sflag:s0] =	ssyncset.done @!p0 $0x0  }
0x40: {  	[sflag:s0] =	ssyncadd.s32 @!p0 s1  }
0x41: {  	[bflag:$0x3] =	sbarrier.arrive $0xFFFF  }
0x42: {  	_ =	shalt  }

</sc_bundles>
